<compile_context>
chip_gen: v7x
topology: tpu7x:2x2x1
jax: 0.10.2.dev20260603
libtpu: 0.0.44.dev20260713+nightly
codegen_flags: <defaults>
</compile_context>

<pallas_src>
import jax
import jax.numpy as jnp
from jax.experimental import pallas as pl

Q = 2048
K = 16384
D = 256
TOPK = 256

TI = 256
TJ = 2048
NI = Q // TI
NJ = K // TJ


def _score_kernel(ref_ref, src_ref, s_ref, r_ref, c_ref):
    i = pl.program_id(0)
    j = pl.program_id(1)
    x = ref_ref[...]
    y = src_ref[...]
    xn = x / (jnp.sqrt(jnp.sum(x * x, axis=1, keepdims=True)) + 1e-12)
    yn = y / (jnp.sqrt(jnp.sum(y * y, axis=1, keepdims=True)) + 1e-12)
    x2 = jnp.sum(xn * xn, axis=1, keepdims=True)
    y2 = jnp.sum(yn * yn, axis=1, keepdims=True)
    xy = jnp.dot(xn, yn.T, preferred_element_type=jnp.float32)
    d = jnp.maximum(x2 - 2.0 * xy + y2.T, 0.0)
    s = jnp.exp(-d)
    s_ref[...] = s

    @pl.when(jnp.logical_and(i == 0, j == 0))
    def _():
        r_ref[...] = jnp.zeros_like(r_ref)
        c_ref[...] = jnp.zeros_like(c_ref)

    r_ref[pl.ds(i * TI, TI), :] += jnp.sum(s, axis=1, keepdims=True)
    c_ref[:, pl.ds(j * TJ, TJ)] += jnp.sum(s, axis=0, keepdims=True)


def _dualnorm_kernel(s_ref, r_ref, c_ref, b_ref):
    s = s_ref[...]
    b_ref[...] = (s / r_ref[...]) * (s / c_ref[...])


def kernel(ref_feats, src_feats):
    s, r, c = pl.pallas_call(
        _score_kernel,
        grid=(NI, NJ),
        in_specs=[
            pl.BlockSpec((TI, D), lambda i, j: (i, 0)),
            pl.BlockSpec((TJ, D), lambda i, j: (j, 0)),
        ],
        out_specs=[
            pl.BlockSpec((TI, TJ), lambda i, j: (i, j)),
            pl.BlockSpec((Q, 1), lambda i, j: (0, 0)),
            pl.BlockSpec((1, K), lambda i, j: (0, 0)),
        ],
        out_shape=[
            jax.ShapeDtypeStruct((Q, K), jnp.float32),
            jax.ShapeDtypeStruct((Q, 1), jnp.float32),
            jax.ShapeDtypeStruct((1, K), jnp.float32),
        ],
    )(ref_feats, src_feats)

    b = pl.pallas_call(
        _dualnorm_kernel,
        grid=(NI, NJ),
        in_specs=[
            pl.BlockSpec((TI, TJ), lambda i, j: (i, j)),
            pl.BlockSpec((TI, 1), lambda i, j: (i, 0)),
            pl.BlockSpec((1, TJ), lambda i, j: (0, j)),
        ],
        out_specs=pl.BlockSpec((TI, TJ), lambda i, j: (i, j)),
        out_shape=jax.ShapeDtypeStruct((Q, K), jnp.float32),
    )(s, r, c)

    corr_scores, corr_indices = jax.lax.top_k(b.reshape(-1), TOPK)
    ref_corr_indices = corr_indices // K
    src_corr_indices = corr_indices % K
    return corr_scores, ref_corr_indices, src_corr_indices

# --- scband reference (transcript-rebuilt; emitter-appended) ---
"""Pipeline reference for scband-co-ff-83090437309057 (READ-ONLY COPY).

The authoritative reference and input builder live on the scoring server;
editing this copy changes nothing except your own understanding.
"""

import jax, jax.numpy as jnp
import numpy as np

NUM_CORRESPONDENCES = 256
DUAL_NORMALIZATION = True


def setup_inputs(seed: int = 0) -> dict:
    key = jax.random.key(seed)
    k1, k2 = jax.random.split(key)
    ref_feats = jax.random.normal(k1, (2048, 256), dtype=jnp.float32)
    src_feats = jax.random.normal(k2, (16384, 256), dtype=jnp.float32)
    return {"ref_feats": ref_feats, "src_feats": src_feats}


def _pairwise_distance(x, y):
    # squared L2 distance matrix [Q, K]
    x2 = jnp.sum(x * x, axis=-1, keepdims=True)
    y2 = jnp.sum(y * y, axis=-1, keepdims=True).T
    xy = jnp.matmul(x, y.T)
    d = x2 - 2.0 * xy + y2
    return jnp.maximum(d, 0.0)


def reference(ref_feats, src_feats):
    # SuperPointMatching coarse correspondence retrieval (kNN over feature space)
    ref_norm = ref_feats / (jnp.linalg.norm(ref_feats, axis=1, keepdims=True) + 1e-12)
    src_norm = src_feats / (jnp.linalg.norm(src_feats, axis=1, keepdims=True) + 1e-12)
    matching_scores = jnp.exp(-_pairwise_distance(ref_norm, src_norm))
    if DUAL_NORMALIZATION:
        ref_ms = matching_scores / jnp.sum(matching_scores, axis=1, keepdims=True)
        src_ms = matching_scores / jnp.sum(matching_scores, axis=0, keepdims=True)
        matching_scores = ref_ms * src_ms
    num_src = matching_scores.shape[1]
    flat_scores = matching_scores.reshape(-1)
    corr_scores, corr_indices = jax.lax.top_k(flat_scores, NUM_CORRESPONDENCES)
    ref_corr_indices = corr_indices // num_src
    src_corr_indices = corr_indices % num_src
    return corr_scores, ref_corr_indices, src_corr_indices

if __name__ == "__main__":
    import jax
    _d = setup_inputs()
    print(jax.jit(kernel)(*tuple(_d.values())))

</pallas_src>

<mosaic_0001>
module attributes {stable_mosaic.version = 14 : i64} {
  func.func @_dualnorm_kernel(%arg0: i32, %arg1: i32, %arg2: memref<256x2048xf32, #tpu.memory_space<vmem>>, %arg3: memref<256x1xf32, #tpu.memory_space<vmem>>, %arg4: memref<1x2048xf32, #tpu.memory_space<vmem>>, %arg5: memref<256x2048xf32, #tpu.memory_space<vmem>>) attributes {dimension_semantics = [#tpu.dimension_semantics<arbitrary>, #tpu.dimension_semantics<arbitrary>], iteration_bounds = array<i64: 8, 8>, scalar_prefetch = 0 : i64, scratch_operands = 0 : i64, tpu.core_type = #tpu.core_type<tc>, window_params = [{transform_indices = @transform_0, window_bounds = array<i64: 256, 2048>}, {transform_indices = @transform_1, window_bounds = array<i64: 256, 1>}, {transform_indices = @transform_2, window_bounds = array<i64: 1, 2048>}, {transform_indices = @transform_3, window_bounds = array<i64: 256, 2048>}]} {
    %get3A = arith.constant 0 : index
    %get3A_0 = arith.constant 0 : index
    %get3A_1 = vector.load %arg2[%get3A, %get3A_0] : memref<256x2048xf32, #tpu.memory_space<vmem>>, vector<256x2048xf32>
    %get3A_2 = arith.constant 0 : index
    %get3A_3 = arith.constant 0 : index
    %get3A_4 = vector.load %arg3[%get3A_2, %get3A_3] : memref<256x1xf32, #tpu.memory_space<vmem>>, vector<256x1xf32>
    %div3A = vector.broadcast %get3A_4 : vector<256x1xf32> to vector<256x2048xf32>
    %div3A_5 = arith.divf %get3A_1, %div3A : vector<256x2048xf32>
    %get3A_6 = arith.constant 0 : index
    %get3A_7 = arith.constant 0 : index
    %get3A_8 = vector.load %arg4[%get3A_6, %get3A_7] : memref<1x2048xf32, #tpu.memory_space<vmem>>, vector<1x2048xf32>
    %div3A_9 = vector.broadcast %get3A_8 : vector<1x2048xf32> to vector<256x2048xf32>
    %div3A_10 = arith.divf %get3A_1, %div3A_9 : vector<256x2048xf32>
    %mul3A = arith.mulf %div3A_5, %div3A_10 : vector<256x2048xf32>
    %swap3A = arith.constant 0 : index
    %swap3A_11 = arith.constant 0 : index
    %swap3A_12 = vector.load %arg5[%swap3A, %swap3A_11] : memref<256x2048xf32, #tpu.memory_space<vmem>>, vector<256x2048xf32>
    tpu.vector_store %arg5[%swap3A, %swap3A_11], %mul3A {strides = array<i32>} : memref<256x2048xf32, #tpu.memory_space<vmem>>, vector<256x2048xf32>,
    return
  }
  func.func @transform_0(%arg0: i32, %arg1: i32) -> (i32, i32) {
    %c0_i32 = arith.constant 0 : i32
    return %arg0, %arg1 : i32, i32
  }
  func.func @transform_1(%arg0: i32, %arg1: i32) -> (i32, i32) {
    %c0_i32 = arith.constant 0 : i32
    %c0_i32_0 = arith.constant 0 : i32
    return %arg0, %c0_i32 : i32, i32
  }
  func.func @transform_2(%arg0: i32, %arg1: i32) -> (i32, i32) {
    %c0_i32 = arith.constant 0 : i32
    %c0_i32_0 = arith.constant 0 : i32
    return %c0_i32, %arg1 : i32, i32
  }
  func.func @transform_3(%arg0: i32, %arg1: i32) -> (i32, i32) {
    %c0_i32 = arith.constant 0 : i32
    return %arg0, %arg1 : i32, i32
  }
}

module attributes {stable_mosaic.version = 14 : i64} {
  func.func @_score_kernel(%arg0: i32, %arg1: i32, %arg2: memref<256x256xf32, #tpu.memory_space<vmem>>, %arg3: memref<2048x256xf32, #tpu.memory_space<vmem>>, %arg4: memref<256x2048xf32, #tpu.memory_space<vmem>>, %arg5: memref<2048x1xf32, #tpu.memory_space<vmem>>, %arg6: memref<1x16384xf32, #tpu.memory_space<vmem>>) attributes {dimension_semantics = [#tpu.dimension_semantics<arbitrary>, #tpu.dimension_semantics<arbitrary>], iteration_bounds = array<i64: 8, 8>, scalar_prefetch = 0 : i64, scratch_operands = 0 : i64, tpu.core_type = #tpu.core_type<tc>, window_params = [{transform_indices = @transform_0, window_bounds = array<i64: 256, 256>}, {transform_indices = @transform_1, window_bounds = array<i64: 2048, 256>}, {transform_indices = @transform_2, window_bounds = array<i64: 256, 2048>}, {pipeline_mode = #tpu.pipeline_mode<synchronous>, transform_indices = @transform_3, window_bounds = array<i64: 2048, 1>}, {pipeline_mode = #tpu.pipeline_mode<synchronous>, transform_indices = @transform_4, window_bounds = array<i64: 1, 16384>}]} {
    %get3A = arith.constant 0 : index
    %get3A_0 = arith.constant 0 : index
    %get3A_1 = vector.load %arg2[%get3A, %get3A_0] : memref<256x256xf32, #tpu.memory_space<vmem>>, vector<256x256xf32>
    %get3A_2 = arith.constant 0 : index
    %get3A_3 = arith.constant 0 : index
    %get3A_4 = vector.load %arg3[%get3A_2, %get3A_3] : memref<2048x256xf32, #tpu.memory_space<vmem>>, vector<2048x256xf32>
    %mul3A = arith.mulf %get3A_1, %get3A_1 : vector<256x256xf32>
    %reduce_sum3A = arith.constant dense<0.000000e+00> : vector<256xf32>
    %reduce_sum3A_5 = vector.multi_reduction <add>, %mul3A, %reduce_sum3A [1] : vector<256x256xf32> to vector<256xf32>
    %broadcast_in_dim3A = vector.shape_cast %reduce_sum3A_5 : vector<256xf32> to vector<256x1xf32>
    %sqrt3A = math.sqrt %broadcast_in_dim3A : vector<256x1xf32>
    %add3A = arith.constant 9.99999996E-13 : f32
    %add3A_6 = vector.broadcast %add3A : f32 to vector<256x1xf32>
    %add3A_7 = arith.addf %sqrt3A, %add3A_6 : vector<256x1xf32>
    %div3A = vector.broadcast %add3A_7 : vector<256x1xf32> to vector<256x256xf32>
    %div3A_8 = arith.divf %get3A_1, %div3A : vector<256x256xf32>
    %mul3A_9 = arith.mulf %get3A_4, %get3A_4 : vector<2048x256xf32>
    %reduce_sum3A_10 = arith.constant dense<0.000000e+00> : vector<2048xf32>
    %reduce_sum3A_11 = vector.multi_reduction <add>, %mul3A_9, %reduce_sum3A_10 [1] : vector<2048x256xf32> to vector<2048xf32>
    %broadcast_in_dim3A_12 = vector.shape_cast %reduce_sum3A_11 : vector<2048xf32> to vector<2048x1xf32>
    %sqrt3A_13 = math.sqrt %broadcast_in_dim3A_12 : vector<2048x1xf32>
    %add3A_14 = arith.constant 9.99999996E-13 : f32
    %add3A_15 = vector.broadcast %add3A_14 : f32 to vector<2048x1xf32>
    %add3A_16 = arith.addf %sqrt3A_13, %add3A_15 : vector<2048x1xf32>
    %div3A_17 = vector.broadcast %add3A_16 : vector<2048x1xf32> to vector<2048x256xf32>
    %div3A_18 = arith.divf %get3A_4, %div3A_17 : vector<2048x256xf32>
    %mul3A_19 = arith.mulf %div3A_8, %div3A_8 : vector<256x256xf32>
    %reduce_sum3A_20 = arith.constant dense<0.000000e+00> : vector<256xf32>
    %reduce_sum3A_21 = vector.multi_reduction <add>, %mul3A_19, %reduce_sum3A_20 [1] : vector<256x256xf32> to vector<256xf32>
    %broadcast_in_dim3A_22 = vector.shape_cast %reduce_sum3A_21 : vector<256xf32> to vector<256x1xf32>
    %mul3A_23 = arith.mulf %div3A_18, %div3A_18 : vector<2048x256xf32>
    %reduce_sum3A_24 = arith.constant dense<0.000000e+00> : vector<2048xf32>
    %reduce_sum3A_25 = vector.multi_reduction <add>, %mul3A_23, %reduce_sum3A_24 [1] : vector<2048x256xf32> to vector<2048xf32>
    %broadcast_in_dim3A_26 = vector.shape_cast %reduce_sum3A_25 : vector<2048xf32> to vector<2048x1xf32>
    %transpose3A = tpu.transpose %div3A_18, [1, 0] : vector<2048x256xf32> -> vector<256x2048xf32>
    %dot_general3A = arith.constant dense<0.000000e+00> : vector<256x2048xf32>
    %dot_general3A_27 = tpu.matmul %div3A_8, %transpose3A, %dot_general3A {dimension_numbers = #tpu.dot_dimension_numbers<[1], [0], [0], [1], [0, 0, 1, 1], [], []>, transpose_lhs_hint = false} : vector<256x256xf32>, vector<256x2048xf32>, vector<256x2048xf32> -> vector<256x2048xf32>
    %mul3A_28 = arith.constant 2.000000e+00 : f32
    %mul3A_29 = vector.broadcast %mul3A_28 : f32 to vector<256x2048xf32>
    %mul3A_30 = arith.mulf %mul3A_29, %dot_general3A_27 : vector<256x2048xf32>
    %sub3A = vector.broadcast %broadcast_in_dim3A_22 : vector<256x1xf32> to vector<256x2048xf32>
    %sub3A_31 = arith.subf %sub3A, %mul3A_30 : vector<256x2048xf32>
    %transpose3A_32 = tpu.transpose %broadcast_in_dim3A_26, [1, 0] : vector<2048x1xf32> -> vector<1x2048xf32>
    %add3A_33 = vector.broadcast %transpose3A_32 : vector<1x2048xf32> to vector<256x2048xf32>
    %add3A_34 = arith.addf %sub3A_31, %add3A_33 : vector<256x2048xf32>
    %max3A = arith.constant 0.000000e+00 : f32
    %max3A_35 = vector.broadcast %max3A : f32 to vector<256x2048xf32>
    %max3A_36 = arith.maximumf %add3A_34, %max3A_35 : vector<256x2048xf32>
    %neg3A = arith.constant 0.000000e+00 : f32
    %neg3A_37 = vector.broadcast %neg3A : f32 to vector<256x2048xf32>
    %neg3A_38 = arith.subf %neg3A_37, %max3A_36 : vector<256x2048xf32>
    %exp3A = math.exp %neg3A_38 : vector<256x2048xf32>
    %swap3A = arith.constant 0 : index
    %swap3A_39 = arith.constant 0 : index
    %swap3A_40 = vector.load %arg4[%swap3A, %swap3A_39] : memref<256x2048xf32, #tpu.memory_space<vmem>>, vector<256x2048xf32>
    tpu.vector_store %arg4[%swap3A, %swap3A_39], %exp3A {strides = array<i32>} : memref<256x2048xf32, #tpu.memory_space<vmem>>, vector<256x2048xf32>,
    %eq3A = arith.constant 0 : i32
    %eq3A_41 = arith.cmpi eq, %arg0, %eq3A : i32
    %eq3A_42 = arith.constant 0 : i32
    %eq3A_43 = arith.cmpi eq, %arg1, %eq3A_42 : i32
    %and3A = arith.andi %eq3A_41, %eq3A_43 : i1
    %convert_element_type3A = arith.extui %and3A : i1 to i32
    %cond3A = arith.constant 0 : i32
    %cond3A_44 = arith.cmpi ne, %convert_element_type3A, %cond3A : i32
    scf.if %cond3A_44 {
      %broadcast_in_dim3A_69 = arith.constant 0.000000e+00 : f32
      %broadcast_in_dim3A_70 = vector.broadcast %broadcast_in_dim3A_69 : f32 to vector<2048x1xf32>
      %swap3A_71 = arith.constant 0 : index
      %swap3A_72 = arith.constant 0 : index
      %swap3A_73 = vector.load %arg5[%swap3A_71, %swap3A_72] : memref<2048x1xf32, #tpu.memory_space<vmem>>, vector<2048x1xf32>
      tpu.vector_store %arg5[%swap3A_71, %swap3A_72], %broadcast_in_dim3A_70 {strides = array<i32>} : memref<2048x1xf32, #tpu.memory_space<vmem>>, vector<2048x1xf32>,
      %broadcast_in_dim3A_74 = arith.constant 0.000000e+00 : f32
      %broadcast_in_dim3A_75 = vector.broadcast %broadcast_in_dim3A_74 : f32 to vector<1x16384xf32>
      %swap3A_76 = arith.constant 0 : index
      %swap3A_77 = arith.constant 0 : index
      %swap3A_78 = vector.load %arg6[%swap3A_76, %swap3A_77] : memref<1x16384xf32, #tpu.memory_space<vmem>>, vector<1x16384xf32>
      tpu.vector_store %arg6[%swap3A_76, %swap3A_77], %broadcast_in_dim3A_75 {strides = array<i32>} : memref<1x16384xf32, #tpu.memory_space<vmem>>, vector<1x16384xf32>,
    } else {
    }
    %mul3A_45 = arith.constant 256 : i32
    %mul3A_46 = arith.muli %arg0, %mul3A_45 : i32
    %get3A_47 = arith.index_cast %mul3A_46 : i32 to index
    %get3A_48 = arith.constant 0 : index
    %get3A_49 = vector.load %arg5[%get3A_47, %get3A_48] : memref<2048x1xf32, #tpu.memory_space<vmem>>, vector<256x1xf32>
    %reduce_sum3A_50 = arith.constant dense<0.000000e+00> : vector<256xf32>
    %reduce_sum3A_51 = vector.multi_reduction <add>, %exp3A, %reduce_sum3A_50 [1] : vector<256x2048xf32> to vector<256xf32>
    %broadcast_in_dim3A_52 = vector.shape_cast %reduce_sum3A_51 : vector<256xf32> to vector<256x1xf32>
    %add3A_53 = arith.addf %get3A_49, %broadcast_in_dim3A_52 : vector<256x1xf32>
    %swap3A_54 = arith.index_cast %mul3A_46 : i32 to index
    %swap3A_55 = arith.constant 0 : index
    %swap3A_56 = vector.load %arg5[%swap3A_54, %swap3A_55] : memref<2048x1xf32, #tpu.memory_space<vmem>>, vector<256x1xf32>
    tpu.vector_store %arg5[%swap3A_54, %swap3A_55], %add3A_53 {strides = array<i32>} : memref<2048x1xf32, #tpu.memory_space<vmem>>, vector<256x1xf32>,
    %mul3A_57 = arith.constant 2048 : i32
    %mul3A_58 = arith.muli %arg1, %mul3A_57 : i32
    %get3A_59 = arith.constant 0 : index
    %get3A_60 = arith.index_cast %mul3A_58 : i32 to index
    %get3A_61 = vector.load %arg6[%get3A_59, %get3A_60] : memref<1x16384xf32, #tpu.memory_space<vmem>>, vector<1x2048xf32>
    %reduce_sum3A_62 = arith.constant dense<0.000000e+00> : vector<2048xf32>
    %reduce_sum3A_63 = vector.multi_reduction <add>, %exp3A, %reduce_sum3A_62 [0] : vector<256x2048xf32> to vector<2048xf32>
    %broadcast_in_dim3A_64 = vector.shape_cast %reduce_sum3A_63 : vector<2048xf32> to vector<1x2048xf32>
    %add3A_65 = arith.addf %get3A_61, %broadcast_in_dim3A_64 : vector<1x2048xf32>
    %swap3A_66 = arith.constant 0 : index
    %swap3A_67 = arith.index_cast %mul3A_58 : i32 to index
    %swap3A_68 = vector.load %arg6[%swap3A_66, %swap3A_67] : memref<1x16384xf32, #tpu.memory_space<vmem>>, vector<1x2048xf32>
    tpu.vector_store %arg6[%swap3A_66, %swap3A_67], %add3A_65 {strides = array<i32>} : memref<1x16384xf32, #tpu.memory_space<vmem>>, vector<1x2048xf32>,
    return
  }
  func.func @transform_0(%arg0: i32, %arg1: i32) -> (i32, i32) {
    %c0_i32 = arith.constant 0 : i32
    %c0_i32_0 = arith.constant 0 : i32
    return %arg0, %c0_i32 : i32, i32
  }
  func.func @transform_1(%arg0: i32, %arg1: i32) -> (i32, i32) {
    %c0_i32 = arith.constant 0 : i32
    %c0_i32_0 = arith.constant 0 : i32
    return %arg1, %c0_i32 : i32, i32
  }
  func.func @transform_2(%arg0: i32, %arg1: i32) -> (i32, i32) {
    %c0_i32 = arith.constant 0 : i32
    return %arg0, %arg1 : i32, i32
  }
  func.func @transform_3(%arg0: i32, %arg1: i32) -> (i32, i32) {
    %c0_i32 = arith.constant 0 : i32
    %c0_i32_0 = arith.constant 0 : i32
    %c0_i32_1 = arith.constant 0 : i32
    return %c0_i32, %c0_i32_0 : i32, i32
  }
  func.func @transform_4(%arg0: i32, %arg1: i32) -> (i32, i32) {
    %c0_i32 = arith.constant 0 : i32
    %c0_i32_0 = arith.constant 0 : i32
    %c0_i32_1 = arith.constant 0 : i32
    return %c0_i32, %c0_i32_0 : i32, i32
  }
}

</mosaic_0001>

<sc_bundles>
// kernel: sparse-core-data-format-call.cloned.1.call-start
scs
called_computation_lowered:
.L_overlay_start_0:
0x0: {  	s1 =	sld [smem:$0x3FD9]  }
0x1: {  	s2 =	sld [smem:$0x3FFE];
	_ =	sdelay $0x1  }
0x2: {  	s3 =	srdreg.scid  }
0x3: {  	s0 =	sand.u32 $0x1, s3  }
0x4: {  	s17 =	sshll.u32 s0, $0xA;
	s1 =	sadd.s32 s2, s1  }
0x5: {  	s1 =	sadd.s32 s1, s17  }
0x6: {  	[smem:$0x3FC6] =	sst s1  }
0x7: {  	_ = 	snop  }
0x8: {  	(tm) =	ssettm $0x1  }
0x9: {  	s18 =	sld [smem:$0x3FFB];
	_ =	sdelay $0x3  }
0xa: {  	_ =	strace s18  }
0xb: {  	s1 =	sld [smem:$0x3FFC];
	_ =	sdelay $0x3  }
0xc: {  	_ =	strace s1  }
0xd: {  	s1 =	sld [smem:$0x3FFD];
	_ =	sdelay $0x3  }
0xe: {  	_ =	strace s1  }
0xf: {  	_ =	strace $0x8FFFFFFF  }
0x10: {  	s19 =	sld [smem:$0x3FDB];
	_ =	sdelay $0x1  }
0x11: {  	s20 =	simm.s32 $_scs_section_size  }
0x12: {  	s4 =	simm.s32 $_size__tile_overlayer_lowered;
	s5 =	simm.s32 $_tile_overlayer_lowered  }
0x13: {  	s23 =	simm.s32 $0x1BFF;
	s22 =	sshll.u32 s5, $0x1;
	s1 =	sadd.s32 s20, s19  }
0x14: {  	s6 =	simm.s32 $0x0;
	s21 =	sshll.u32 s4, $0x1;
	s4 =	sadd.s32 s22, s1  }
0x15: {  	[timem:s6], [sflag:s23] =	dma.local [hbm:s4], s21  }
0x16: {  	_ =	swait.ge [sflag:s23], s21  }
0x17: {  	s2 =	ssub.s32 $0x0, s21;
	[sflag:s23] =	ssyncset.done $0x0  }
0x18: {  	[sflag:s23] =	ssyncadd.s32 s2;
	_ =	sdelay $0x1  }
0x19: {  	s24 =	simm.s32 $0x1B8B  }
0x1a: {  	_ =	swait.ge [sflag:s24], $0x1  }
0x1b: {  	[sflag:s24] =	ssyncset.done $0x0  }
0x1c: {  	s26 =	simm.s32 $0x1B8E;
	s25 =	sld [smem:$0x3FFE];
	[sflag:s24] =	ssyncadd.s32 $0xFFFFFFFF  }
0x1d: {  	s27 =	simm.s32 $execute0_lowered;
	[smem:$0x3FD2] =	sst s26  }
0x1e: {  	s4 =	sshll.u32 s27, $0x1;
	_ =	strace $0x80000046;
	[dreg:$0x1] =	wrdreg $0xFFFFFFFF  }
0x1f: {  	s28 =	simm.s32 $_size_execute0_lowered;
	s1 =	sadd.s32 s1, s4;
	[dreg:$0x0] =	wrdreg $0x0  }
0x20: {  	s4 =	sshll.u32 s28, $0x1;
	[dreg:$0x2] =	wrdreg s1  }
0x21: {  	[dreg:$0x3] =	wrdreg s4  }
0x22: {  	[dreg:$0x4] =	wrdreg $0xC0  }
0x23: {  	_ =	task [dreg:s6], $0x5FFFF  }
0x24: {  	[dreg:$0x1] =	wrdreg $0xFFFFFFFF  }
0x25: {  	[dreg:$0x0] =	wrdreg $0x60  }
0x26: {  	[dreg:$0x2] =	wrdreg s25  }
0x27: {  	[dreg:$0x3] =	wrdreg $0x9  }
0x28: {  	_ =	task.clear_ibuf [dreg:s6], $0x4FFFF;
	_ =	strace $0x90000046  }
0x29: {  	s29 =	simm.s32 $0x9;
	_ =	strace $0x80000048  }
0x2a: {  	_ =	swait.ge [sflag:s29], $0x1  }
0x2b: {  	[sflag:s29] =	ssyncadd.s32 $0xFFFFFFFF  }
0x2c: {  	_ =	strace $0x90000048  }
0x2d: {  	_ =	sfence  }
0x2e: {  	s30 =	sld [smem:$0x0];
	_ =	sdelay $0x2  }
0x2f: {  	s31 =	sshll.u32 s3, $0xD;
	s3 =	sshrl.u32 s3, $0x2  }
0x30: {  	s2 =	sand.u32 $0x4000, s31;
	s1 =	sadd.s32 s3, s30  }
0x31: {  	s0 =	sor.u32 s2, s0;
	s1 =	sshll.u32 s1, $0x11  }
0x32: {  	s0 =	sor.u32 s1, s0  }
0x33: {  	s0 =	sadd.s32 $0x8F2B, s0  }
0x34: {  	[sflag:s0] =	ssyncadd.remote.s32 $0x1  }
0x35: {  	_ =	sfence.sel $0xFFFF  }
0x36: {  	[dreg:$0x0] =	wrdreg $0xFFFFFFFF;
	(pc) =	sbr.abs _section_cstart, $3  }
0x37: {  	[dreg:$0x1] =	wrdreg $0xFFFFFFFF  }
0x38: {  	_ =	task.clear_ibuf [dreg:s6], $0x2FFFF;
	_ =	strace $0x9FFFFFFF  }
0x39: {  	(tm) =	ssettm $0x7FFFFFFF  }
tec
execute0_lowered:
.L_overlay_start_1:
0x0: {  	(tag) =	ssettag $0x1  }
0x1: {  	s2 =	rddreg [dreg:$0x0]  }
0x2: {  	s0 =	rddreg [dreg:$0x1];
	_ =	strace $0x80000047;
	s4 =	srdreg.scid  }
0x3: {  	s1 =	stileid.u32;
	s6 =	simm.s32 $0x2;
	s11 =	simm.s32 $0x0  }
.Ltmp0:
0x4: {  	p0 =	por $0x0, $0x0;
	s7 =	simm.s32 $0x4000;
	(pc) =	sbr.rel .LBB1_1-.Ltmp0, $4  }
0x5: {  	s12 =	simm.s32 $0x0;
	s9 =	simm.s32 $0x0;
	s5 =	sshll.u32 s4, $0x4  }
0x6: {  	s8 =	simm.s32 $0x0;
	s4 =	simm.s32 $0x1;
	s5 =	sand.u32 $0x10, s5  }
0x7: {  	s3 =	sadd.s32 $0x400000, s2;
	[sflag:s4] =	ssyncpa.u1 $0x0;
	s5 =	sor.u32 s1, s5  }
0x8: {  	[sflag:s6] =	ssyncpa.u1 $0x0;
	s6 =	simm.s32 $0x800;
	s10 =	smov.u32 s5  }
.LBB1_7:
0x9: {  	s13 =	sadd.s32 $0x10, s9  }
0xa: {  	s11 =	sadd.s32 $0x20, s10;
	s15 =	smov.u32 s10;
	p2 =	sgt.s32 s13, $0x7F  }
0xb: {  	p1 =	slt.u32 s8, $0x2;
	s15 =	smov.u32 @p2 s11  }
0xc: {  	s8 =	sadd.s32 $0x1, s8;
	s13 =	simm.s32 @p2 $0x0;
	p2 =	sgt.s32 s15, $0xFF  }
0xd: {  	s15 =	smov.u32 @p2 s5;
	p2 =	sne.s32 s8, $0x42  }
.Ltmp1:
0xe: {  	_ = 	snop;
	(pc) =	sbr.rel @!p2 .LBB1_8-.Ltmp1, $4  }
0xf: {  	s14 =	simm.s32 @!p1 $0x2  }
0x10: {  	s12 =	smov.u32 s10;
	_ =	swait.ge @!p1 [sflag:s14], $0x4000  }
0x11: {  	p0 =	por !p0, !p0;
	s11 =	smov.u32 s9;
	[sflag:s14] =	ssyncset.done @!p1 $0x0  }
0x12: {  	s9 =	smov.u32 s13;
	[sflag:s14] =	ssyncadd.s32 @!p1 $0xFFFFC000;
	s10 =	smov.u32 s15  }
.LBB1_1:
0x13: {  	p1 =	sgt.u32 s8, $0x3F  }
0x14: {  	s13 =	sxor.u32 @!p1 $0xFFFFFFFF, s8;
	s14 =	sshll.u32 @!p1 s10, $0xE  }
0x15: {  	s15 =	sshll.u32 @!p1 s9, $0x7;
	s13 =	sshll.u32 @!p1 s13, $0xE;
	s14 =	sadd.s32 @!p1 s3, s14  }
0x16: {  	s13 =	sand.u32 @!p1 $0x4000, s13;
	s14 =	sadd.s32 @!p1 s15, s14;
	s15 =	simm.s32 @!p1 $0x0  }
0x17: {  	[tilespmem:s13], [sflag:$0x1] =	stream.linear.gather @!p1 [hbm4b:s14+s15], $0x4000, $0x38;
	[tilespmem:$0x10000] =	vst v63  }
0x18: {  	p1 =	seq.s32 s8, $0x0  }
0x19: {  	p2 =	seq.s32 @!p1 s8, $0x41  }
0x1a: {  	p1 =	por p1, p2  }
.Ltmp2:
0x1b: {  	_ = 	snop;
	(pc) =	sbr.rel @p1 .LBB1_7-.Ltmp2, $1  }
0x1c: {  	_ =	sdelay $0x3  }
0x1d: {  	s13 =	simm.s32 $0x1;
	_ =	swait.ge [sflag:s4], $0x4000;
	s16 =	sshll.u32 s8, $0xE  }
0x1e: {  	s13 =	simm.s32 @!p0 $0x0;
	[sflag:s4] =	ssyncset.done $0x0;
	s31 =	sand.u32 $0x4000, s16  }
0x1f: {  	s16 =	simm.s32 $0x0;
	s14 =	sshll.u32 s13, $0xE;
	[sflag:s4] =	ssyncadd.s32 $0xFFFFC000  }
0x20: {  	s13 =	sor.u32 $0x8040, s14;
	s15 =	sor.u32 $0x40, s14;
	s14 =	sor.u32 $0x8000, s31  }
.LBB1_3:
0x21: {  	v0 =	vmov s15;
	_ =	sdelay $0x3  }
0x22: {  	s18 =	simm.s32 $0x0  }
0x23: {  	v6 =	vld.idx.msk [tilespmem:v0+s18+$0x30 ss:$0x1], $0xffff  }
0x24: {  	v7 =	vld.idx.msk [tilespmem:v0+s18+$0xFFFFFFC0 ss:$0x1], $0xffff  }
0x25: {  	v5 =	vld.idx.msk [tilespmem:v0+s18+$0xFFFFFFD0 ss:$0x1], $0xffff  }
0x26: {  	v4 =	vld.idx.msk [tilespmem:v0+s18+$0xFFFFFFE0 ss:$0x1], $0xffff  }
0x27: {  	v3 =	vld.idx.msk [tilespmem:v0+s18+$0xFFFFFFF0 ss:$0x1], $0xffff  }
0x28: {  	v1 =	vld.idx.msk [tilespmem:v0+s18+$0x0 ss:$0x1], $0xffff  }
0x29: {  	v2 =	vld.idx.msk [tilespmem:v0+s18+$0x10 ss:$0x1], $0xffff;
	[tilespmem:s13+$0x30] =	vst v6  }
0x2a: {  	s17 =	simm.s32 $0x80;
	s19 =	simm.s32 $0x400;
	[tilespmem:s13+$0xFFFFFFC0] =	vst v7;
	v6 =	vld.idx.msk [tilespmem:v0+s18+$0x20 ss:$0x1], $0xffff;
	s18 =	smov.u32 s13  }
.LBB1_4:
0x2b: {  	p1 =	sne.s32 s19, $0xE00;
	v7 =	vld.idx.msk [tilespmem:v0+s17+$0x30 ss:$0x1], $0xffff;
	[tilespmem:s18+$0xFFFFFFD0] =	vst v5  }
0x2c: {  	v8 =	vld.idx.msk [tilespmem:v0+s17+$0xFFFFFFC0 ss:$0x1], $0xffff;
	[tilespmem:s18+$0xFFFFFFE0] =	vst v4  }
0x2d: {  	v5 =	vld.idx.msk [tilespmem:v0+s17+$0xFFFFFFD0 ss:$0x1], $0xffff;
	[tilespmem:s18+$0xFFFFFFF0] =	vst v3  }
.Ltmp3:
0x2e: {  	v4 =	vld.idx.msk [tilespmem:v0+s17+$0xFFFFFFE0 ss:$0x1], $0xffff;
	[tilespmem:s18+$0x0] =	vst v1;
	(pc) =	sbr.rel @p1 .LBB1_4-.Ltmp3, $4  }
0x2f: {  	v3 =	vld.idx.msk [tilespmem:v0+s17+$0xFFFFFFF0 ss:$0x1], $0xffff;
	[tilespmem:s18+$0x10] =	vst v2  }
0x30: {  	v1 =	vld.idx.msk [tilespmem:v0+s17+$0x0 ss:$0x1], $0xffff;
	[tilespmem:s18+$0x20] =	vst v6;
	s18 =	sadd.s32 $0x800, s18  }
0x31: {  	v2 =	vld.idx.msk [tilespmem:v0+s17+$0x10 ss:$0x1], $0xffff;
	[tilespmem:s18+$0x30] =	vst v7  }
0x32: {  	[tilespmem:s18+$0xFFFFFFC0] =	vst v8;
	v6 =	vld.idx.msk [tilespmem:v0+s17+$0x20 ss:$0x1], $0xffff;
	s17 =	sshra.s32 s19, $0x2;
	s19 =	sadd.s32 $0x200, s19  }
0x33: {  	_ =	sdelay $0x2  }
0x34: {  	[tilespmem:s18+$0xFFFFFFD0] =	vst v5  }
0x35: {  	v56 =	vld.idx.msk [tilespmem:v0+s17+$0x30 ss:$0x1], $0xffff;
	[tilespmem:s18+$0xFFFFFFE0] =	vst v4  }
0x36: {  	v57 =	vld.idx.msk [tilespmem:v0+s17+$0xFFFFFFC0 ss:$0x1], $0xffff;
	[tilespmem:s18+$0xFFFFFFF0] =	vst v3  }
0x37: {  	v58 =	vld.idx.msk [tilespmem:v0+s17+$0xFFFFFFD0 ss:$0x1], $0xffff;
	[tilespmem:s18+$0x0] =	vst v1  }
0x38: {  	v59 =	vld.idx.msk [tilespmem:v0+s17+$0xFFFFFFE0 ss:$0x1], $0xffff;
	[tilespmem:s18+$0x10] =	vst v2  }
0x39: {  	v60 =	vld.idx.msk [tilespmem:v0+s17+$0xFFFFFFF0 ss:$0x1], $0xffff;
	s31 =	sadd.s32 $0x800, s18;
	[tilespmem:s18+$0x20] =	vst v6  }
0x3a: {  	v61 =	vld.idx.msk [tilespmem:v0+s17+$0x0 ss:$0x1], $0xffff;
	[tilespmem:s31+$0x30] =	vst v56  }
0x3b: {  	v62 =	vld.idx.msk [tilespmem:v0+s17+$0x10 ss:$0x1], $0xffff;
	s16 =	sadd.s32 $0x1, s16;
	[tilespmem:s31+$0xFFFFFFC0] =	vst v57  }
0x3c: {  	v63 =	vld.idx.msk [tilespmem:v0+s17+$0x20 ss:$0x1], $0xffff;
	p1 =	sne.s32 s16, $0x10;
	[tilespmem:s31+$0xFFFFFFD0] =	vst v58  }
.Ltmp4:
0x3d: {  	[tilespmem:s31+$0xFFFFFFE0] =	vst v59;
	(pc) =	sbr.rel @p1 .LBB1_3-.Ltmp4, $4  }
0x3e: {  	[tilespmem:s31+$0xFFFFFFF0] =	vst v60  }
0x3f: {  	[tilespmem:s31+$0x0] =	vst v61  }
0x40: {  	[tilespmem:s31+$0x10] =	vst v62  }
0x41: {  	s13 =	sadd.s32 $0x80, s13;
	s15 =	sadd.s32 $0x400, s15;
	[tilespmem:s31+$0x20] =	vst v63  }
.Ltmp5:
0x42: {  	(pc) =	sbr.rel .LBB1_7-.Ltmp5, $4  }
0x43: {  	s12 =	sshll.u32 s12, $0xE;
	s11 =	sshll.u32 s11, $0x4  }
0x44: {  	s11 =	sand.u32 $0x7F0, s11;
	s12 =	sadd.s32 s2, s12  }
0x45: {  	s11 =	sadd.s32 s11, s12  }
0x46: {  	[hbm4b:s11+s6] =	stream.strided.scatter [tilespmem:s14], [sflag:$0x2], $0x4000, s7, s6, $0x38;
	[tilespmem:$0x10000] =	vst v63  }
.LBB1_8:
0x47: {  	_ =	sfence.sel $0x180000  }
0x48: {  	s2 =	simm.s32 $0x1;
	[bflag:$0x0] =	sbarrier.arrive $0xFFFF  }
0x49: {  	s31 =	simm.s32 $0x2;
	[sflag:s2] =	ssyncpa.u1 $0x1  }
0x4a: {  	[sflag:s31] =	ssyncpa.u1 $0x1  }
0x4b: {  	p0 =	sne.s32 s1, $0x0;
	_ =	strace $0x90000047  }
0x4c: {  	s0 =	sadd.s32 @!p0 $0x100000, s0;
	[bflag:$0x2] =	sbarrier.arrive $0xFFFF  }
0x4d: {  	[sflag:s0] =	ssyncadd.tile.s32 @!p0 $0x1;
	_ =	shalt  }
.Lfunc_end1:
_tile_overlayer_lowered:
.L_overlay_start_2:
0x4e: {  	(tag) =	ssettag $0x2  }
0x4f: {  	s0 =	rddreg [dreg:$0x0];
	s2 =	stileid.u32  }
0x50: {  	s1 =	rddreg [dreg:$0x1];
	p0 =	sne.s32 s2, $0x0  }
0x51: {  	s3 =	rddreg [dreg:$0x2];
	[bflag:$0x3] =	sbarrier.arrive $0xFFFF;
	s2 =	simm.s32 @!p0 $0x1C01  }
0x52: {  	[timem:s3], [sflag:s2] =	dma.local @!p0 [hbm:s0], s1  }
0x53: {  	s0 =	simm.s32 @!p0 $0x1  }
0x54: {  	_ =	swait.ge @!p0 [sflag:s0], s1  }
0x55: {  	s1 =	ssub.s32 @!p0 $0x0, s1;
	[sflag:s0] =	ssyncset.done @!p0 $0x0  }
0x56: {  	[sflag:s0] =	ssyncadd.s32 @!p0 s1  }
0x57: {  	[bflag:$0x3] =	sbarrier.arrive $0xFFFF  }
0x58: {  	_ =	shalt  }

</sc_bundles>
